<compile_context>
chip_gen: v7x
topology: tpu7x:2x2x1
jax: 0.10.2.dev20260603
libtpu: 0.0.44.dev20260713+nightly
codegen_flags: <defaults>
</compile_context>

<pallas_src>
import functools

import jax
import jax.numpy as jnp
from jax import lax
from jax.experimental import pallas as pl
from jax.experimental.pallas import tpu as pltpu
from jax.experimental.pallas import tpu_sc as plsc

B = 4096
C = 256
V = 512
ROWS = B * 16 * 8
NW = 32
K = 128
NCH = ROWS // (NW * K)


def _sc_body(table_hbm, idxg_hbm, out_hbm, idx_all, rows0, rows1,
             sg0, sg1, so0, so1):
    wid = lax.axis_index("s") * 2 + lax.axis_index("c")
    rows = (rows0, rows1)
    sg = (sg0, sg1)
    so = (so0, so1)
    pltpu.sync_copy(idxg_hbm.at[pl.ds(wid * NCH, NCH)], idx_all)

    @pl.loop(0, NCH, step=2)
    def _(ch0):
        for b in range(2):
            ch = ch0 + b
            base = (wid * NCH + ch) * K

            @pl.when(ch >= 2)
            def _():
                pltpu.make_async_copy(
                    rows[b], out_hbm.at[pl.ds(base, K)], so[b]).wait()

            pltpu.async_copy(
                table_hbm.at[idx_all.at[ch]], rows[b], sg[b]).wait()
            pltpu.async_copy(rows[b], out_hbm.at[pl.ds(base, K)], so[b])

    for b in range(2):
        pltpu.make_async_copy(
            rows[b], out_hbm.at[pl.ds(0, K)], so[b]).wait()


def kernel(indices, embedding):
    table2 = embedding.reshape(2 * V, 128)
    idxg = (indices.reshape(B, 16, 1, 4) * 2
            + jnp.arange(2, dtype=indices.dtype).reshape(1, 1, 2, 1))
    idxg = idxg.reshape(ROWS // 128, 128).astype(jnp.int32)

    mesh = plsc.VectorSubcoreMesh(core_axis_name="c", subcore_axis_name="s")
    run = pl.kernel(
        _sc_body,
        out_type=jax.ShapeDtypeStruct((ROWS, 128), jnp.float32),
        mesh=mesh,
        scratch_types=[
            pltpu.VMEM((NCH, K), jnp.int32),
            pltpu.VMEM((K, 128), jnp.float32),
            pltpu.VMEM((K, 128), jnp.float32),
            pltpu.SemaphoreType.DMA,
            pltpu.SemaphoreType.DMA,
            pltpu.SemaphoreType.DMA,
            pltpu.SemaphoreType.DMA,
        ],
    )
    out2 = run(table2, idxg)
    out6 = out2.reshape(B, 4, 4, 2, 4, 128)
    out5 = out6.transpose(0, 3, 5, 1, 2, 4)
    return out5.reshape(B, C, 4, 4, 4)

# --- scband reference (transcript-rebuilt; emitter-appended) ---
"""Pipeline reference for scband-mock-vqgan-6012954214607 (READ-ONLY COPY).

The authoritative reference and input builder live on the scoring server;
editing this copy changes nothing except your own understanding.
"""

import jax, jax.numpy as jnp
import numpy as np

N_EMBED = 512
EMBED_DIM = 256
B, D, H, W = 4096, 4, 4, 4

def setup_inputs(seed: int = 0) -> dict:
    key = jax.random.key(seed)
    k1, k2 = jax.random.split(key)
    indices = jax.random.randint(k1, (B, D, H, W), 0, N_EMBED, dtype=jnp.int64 if jax.config.jax_enable_x64 else jnp.int32)
    embedding = jax.random.normal(k2, (N_EMBED, EMBED_DIM), dtype=jnp.float32)
    return {"indices": indices, "embedding": embedding}

def reference(indices, embedding):
    # Faithful translation of MockQuantize.get_codebook_entry(indices, shape=(b,d,h,w)):
    #   indices = indices.view(b, d, h, w)
    #   z_q = self.embedding(indices)            -> gather from codebook
    #   z_q = z_q.permute(0, 4, 1, 2, 3)         -> channels-first 3D latent
    idx = indices.reshape(B, D, H, W)
    z_q = jnp.take(embedding, idx, axis=0)  # [B, D, H, W, C]
    z_q = jnp.transpose(z_q, (0, 4, 1, 2, 3))  # [B, C, D, H, W]
    return z_q

if __name__ == "__main__":
    import jax
    _d = setup_inputs()
    print(jax.jit(kernel)(*tuple(_d.values())))

</pallas_src>

<mosaic_0001>
#map = affine_map<(d0, d1) -> (0, 0)>
module attributes {stable_mosaic.version = 14 : i64} {
  func.func @_sc_body(%arg0: i32, %arg1: i32, %arg2: memref<1024x128xf32, #tpu.memory_space<hbm>>, %arg3: memref<4096x128xi32, #tpu.memory_space<hbm>>, %arg4: memref<524288x128xf32, #tpu.memory_space<hbm>>, %arg5: memref<128x128xi32, #tpu.memory_space<vmem>>, %arg6: memref<128x128xf32, #tpu.memory_space<vmem>>, %arg7: memref<128x128xf32, #tpu.memory_space<vmem>>, %arg8: memref<!tpu.dma_semaphore, #tpu.memory_space<semaphore_mem>>, %arg9: memref<!tpu.dma_semaphore, #tpu.memory_space<semaphore_mem>>, %arg10: memref<!tpu.dma_semaphore, #tpu.memory_space<semaphore_mem>>, %arg11: memref<!tpu.dma_semaphore, #tpu.memory_space<semaphore_mem>>) attributes {dimension_semantics = [#tpu.dimension_semantics<core_parallel>, #tpu.dimension_semantics<subcore_parallel>], iteration_bounds = array<i64: 2, 16>, scalar_prefetch = 0 : i64, scratch_operands = 7 : i64, tpu.core_type = #tpu.core_type<sc_vector_subcore>, window_params = [{transform_indices = #map}, {transform_indices = #map}, {transform_indices = #map}]} {
    %mul3A = arith.constant 2 : i32
    %mul3A_0 = arith.muli %arg1, %mul3A : i32
    %add3A = arith.addi %mul3A_0, %arg0 : i32
    %mul3A_1 = arith.constant 128 : i32
    %mul3A_2 = arith.muli %add3A, %mul3A_1 : i32
    "tpu.region"() ({
      %run_scoped3A = tpu.sem_alloc : memref<!tpu.dma_semaphore, #tpu.memory_space<semaphore_mem>>
      %dma_start3A = arith.constant 0 : i32
      %dma_start3A_18 = tpu.memref_slice %arg3[%mul3A_2, %dma_start3A] : memref<4096x128xi32, #tpu.memory_space<hbm>> -> memref<128x128xi32, #tpu.memory_space<hbm>>
      %dma_start3A_19 = arith.constant 0 : i32
      %dma_start3A_20 = tpu.memref_slice %arg3[%mul3A_2, %dma_start3A_19] : memref<4096x128xi32, #tpu.memory_space<hbm>> -> memref<128x128xi32, #tpu.memory_space<hbm>>
      tpu.enqueue_dma source(%dma_start3A_20 : memref<128x128xi32, #tpu.memory_space<hbm>>) target(%arg5 : memref<128x128xi32, #tpu.memory_space<vmem>>) target_semaphore(%run_scoped3A : memref<!tpu.dma_semaphore, #tpu.memory_space<semaphore_mem>>)
      %dma_wait3A_21 = arith.constant 0 : i32
      %dma_wait3A_22 = tpu.memref_slice %arg3[%mul3A_2, %dma_wait3A_21] : memref<4096x128xi32, #tpu.memory_space<hbm>> -> memref<128x128xi32, #tpu.memory_space<hbm>>
      %dma_wait3A_23 = arith.constant 0 : i32
      %dma_wait3A_24 = tpu.memref_slice %arg3[%mul3A_2, %dma_wait3A_23] : memref<4096x128xi32, #tpu.memory_space<hbm>> -> memref<128x128xi32, #tpu.memory_space<hbm>>
      tpu.wait_dma2 semaphore(%run_scoped3A : memref<!tpu.dma_semaphore, #tpu.memory_space<semaphore_mem>>) src(%dma_wait3A_24 : memref<128x128xi32, #tpu.memory_space<hbm>>) dst(%arg5 : memref<128x128xi32, #tpu.memory_space<vmem>>)
      tpu.yield
    }) : () -> ()
    %scan3A = arith.constant 0 : i32
    %scan3A_3 = arith.constant 64 : i32
    %scan3A_4 = arith.addi %scan3A, %scan3A_3 : i32
    %scan3A_5 = arith.constant 1 : i32
    scf.for %scan3A_18 = %scan3A to %scan3A_4 step %scan3A_5  : i32 {
      %mul3A_19 = arith.constant 2 : i32
      %mul3A_20 = arith.muli %scan3A_18, %mul3A_19 : i32
      %add3A_21 = arith.constant 0 : i32
      %add3A_22 = arith.addi %add3A_21, %mul3A_20 : i32
      %add3A_23 = arith.constant 0 : i32
      %add3A_24 = arith.addi %add3A_22, %add3A_23 : i32
      %mul3A_25 = arith.constant 128 : i32
      %mul3A_26 = arith.muli %add3A, %mul3A_25 : i32
      %add3A_27 = arith.addi %mul3A_26, %add3A_24 : i32
      %mul3A_28 = arith.constant 128 : i32
      %mul3A_29 = arith.muli %add3A_27, %mul3A_28 : i32
      %ge3A = arith.constant 2 : i32
      %ge3A_30 = arith.cmpi sge, %add3A_24, %ge3A : i32
      %convert_element_type3A = arith.extui %ge3A_30 : i1 to i32
      %cond3A = arith.constant 0 : i32
      %cond3A_31 = arith.cmpi ne, %convert_element_type3A, %cond3A : i32
      scf.if %cond3A_31 {
        %dma_wait3A_75 = arith.constant 0 : i32
        %dma_wait3A_76 = tpu.memref_slice %arg4[%mul3A_29, %dma_wait3A_75] : memref<524288x128xf32, #tpu.memory_space<hbm>> -> memref<128x128xf32, #tpu.memory_space<hbm>>
        %dma_wait3A_77 = arith.constant 0 : i32
        %dma_wait3A_78 = tpu.memref_slice %arg4[%mul3A_29, %dma_wait3A_77] : memref<524288x128xf32, #tpu.memory_space<hbm>> -> memref<128x128xf32, #tpu.memory_space<hbm>>
        tpu.wait_dma2 semaphore(%arg10 : memref<!tpu.dma_semaphore, #tpu.memory_space<semaphore_mem>>) src(%arg6 : memref<128x128xf32, #tpu.memory_space<vmem>>) dst(%dma_wait3A_78 : memref<128x128xf32, #tpu.memory_space<hbm>>)
      } else {
      }
      %dma_start3A = arith.constant 0 : i32
      %dma_start3A_32 = tpu.memref_slice %arg5[%add3A_24, %dma_start3A] : memref<128x128xi32, #tpu.memory_space<vmem>> -> memref<1x128xi32, #tpu.memory_space<vmem>>
      %dma_start3A_33 = tpu.memref_squeeze %dma_start3A_32 : memref<1x128xi32, #tpu.memory_space<vmem>> -> memref<128xi32, #tpu.memory_space<vmem>>
      %dma_start3A_34 = arith.constant 0 : i32
      %dma_start3A_35 = arith.constant 0 : i32
      %dma_start3A_36 = tpu.memref_slice %arg2[%dma_start3A_34, %dma_start3A_35] : memref<1024x128xf32, #tpu.memory_space<hbm>> -> memref<1024x128xf32, #tpu.memory_space<hbm>>
      tpu.enqueue_indirect_dma source(%dma_start3A_36 : memref<1024x128xf32, #tpu.memory_space<hbm>>) target(%arg6 : memref<128x128xf32, #tpu.memory_space<vmem>>) offsets(%dma_start3A_33 : memref<128xi32, #tpu.memory_space<vmem>>) semaphore(%arg8 : memref<!tpu.dma_semaphore, #tpu.memory_space<semaphore_mem>>)
      %dma_wait3A_37 = arith.constant 0 : i32
      %dma_wait3A_38 = tpu.memref_slice %arg5[%add3A_24, %dma_wait3A_37] : memref<128x128xi32, #tpu.memory_space<vmem>> -> memref<1x128xi32, #tpu.memory_space<vmem>>
      %dma_wait3A_39 = tpu.memref_squeeze %dma_wait3A_38 : memref<1x128xi32, #tpu.memory_space<vmem>> -> memref<128xi32, #tpu.memory_space<vmem>>
      %dma_wait3A_40 = arith.constant 0 : i32
      %dma_wait3A_41 = arith.constant 0 : i32
      %dma_wait3A_42 = tpu.memref_slice %arg2[%dma_wait3A_40, %dma_wait3A_41] : memref<1024x128xf32, #tpu.memory_space<hbm>> -> memref<1024x128xf32, #tpu.memory_space<hbm>>
      tpu.wait_indirect_dma semaphore(%arg8 : memref<!tpu.dma_semaphore, #tpu.memory_space<semaphore_mem>>) src(%dma_wait3A_42 : memref<1024x128xf32, #tpu.memory_space<hbm>>) dst(%arg6 : memref<128x128xf32, #tpu.memory_space<vmem>>)
      %dma_start3A_43 = arith.constant 0 : i32
      %dma_start3A_44 = tpu.memref_slice %arg4[%mul3A_29, %dma_start3A_43] : memref<524288x128xf32, #tpu.memory_space<hbm>> -> memref<128x128xf32, #tpu.memory_space<hbm>>
      %dma_start3A_45 = arith.constant 0 : i32
      %dma_start3A_46 = tpu.memref_slice %arg4[%mul3A_29, %dma_start3A_45] : memref<524288x128xf32, #tpu.memory_space<hbm>> -> memref<128x128xf32, #tpu.memory_space<hbm>>
      tpu.enqueue_dma source(%arg6 : memref<128x128xf32, #tpu.memory_space<vmem>>) target(%dma_start3A_46 : memref<128x128xf32, #tpu.memory_space<hbm>>) target_semaphore(%arg10 : memref<!tpu.dma_semaphore, #tpu.memory_space<semaphore_mem>>)
      %add3A_47 = arith.constant 1 : i32
      %add3A_48 = arith.addi %add3A_22, %add3A_47 : i32
      %mul3A_49 = arith.constant 128 : i32
      %mul3A_50 = arith.muli %add3A, %mul3A_49 : i32
      %add3A_51 = arith.addi %mul3A_50, %add3A_48 : i32
      %mul3A_52 = arith.constant 128 : i32
      %mul3A_53 = arith.muli %add3A_51, %mul3A_52 : i32
      %ge3A_54 = arith.constant 2 : i32
      %ge3A_55 = arith.cmpi sge, %add3A_48, %ge3A_54 : i32
      %convert_element_type3A_56 = arith.extui %ge3A_55 : i1 to i32
      %cond3A_57 = arith.constant 0 : i32
      %cond3A_58 = arith.cmpi ne, %convert_element_type3A_56, %cond3A_57 : i32
      scf.if %cond3A_58 {
        %dma_wait3A_75 = arith.constant 0 : i32
        %dma_wait3A_76 = tpu.memref_slice %arg4[%mul3A_53, %dma_wait3A_75] : memref<524288x128xf32, #tpu.memory_space<hbm>> -> memref<128x128xf32, #tpu.memory_space<hbm>>
        %dma_wait3A_77 = arith.constant 0 : i32
        %dma_wait3A_78 = tpu.memref_slice %arg4[%mul3A_53, %dma_wait3A_77] : memref<524288x128xf32, #tpu.memory_space<hbm>> -> memref<128x128xf32, #tpu.memory_space<hbm>>
        tpu.wait_dma2 semaphore(%arg11 : memref<!tpu.dma_semaphore, #tpu.memory_space<semaphore_mem>>) src(%arg7 : memref<128x128xf32, #tpu.memory_space<vmem>>) dst(%dma_wait3A_78 : memref<128x128xf32, #tpu.memory_space<hbm>>)
      } else {
      }
      %dma_start3A_59 = arith.constant 0 : i32
      %dma_start3A_60 = tpu.memref_slice %arg5[%add3A_48, %dma_start3A_59] : memref<128x128xi32, #tpu.memory_space<vmem>> -> memref<1x128xi32, #tpu.memory_space<vmem>>
      %dma_start3A_61 = tpu.memref_squeeze %dma_start3A_60 : memref<1x128xi32, #tpu.memory_space<vmem>> -> memref<128xi32, #tpu.memory_space<vmem>>
      %dma_start3A_62 = arith.constant 0 : i32
      %dma_start3A_63 = arith.constant 0 : i32
      %dma_start3A_64 = tpu.memref_slice %arg2[%dma_start3A_62, %dma_start3A_63] : memref<1024x128xf32, #tpu.memory_space<hbm>> -> memref<1024x128xf32, #tpu.memory_space<hbm>>
      tpu.enqueue_indirect_dma source(%dma_start3A_64 : memref<1024x128xf32, #tpu.memory_space<hbm>>) target(%arg7 : memref<128x128xf32, #tpu.memory_space<vmem>>) offsets(%dma_start3A_61 : memref<128xi32, #tpu.memory_space<vmem>>) semaphore(%arg9 : memref<!tpu.dma_semaphore, #tpu.memory_space<semaphore_mem>>)
      %dma_wait3A_65 = arith.constant 0 : i32
      %dma_wait3A_66 = tpu.memref_slice %arg5[%add3A_48, %dma_wait3A_65] : memref<128x128xi32, #tpu.memory_space<vmem>> -> memref<1x128xi32, #tpu.memory_space<vmem>>
      %dma_wait3A_67 = tpu.memref_squeeze %dma_wait3A_66 : memref<1x128xi32, #tpu.memory_space<vmem>> -> memref<128xi32, #tpu.memory_space<vmem>>
      %dma_wait3A_68 = arith.constant 0 : i32
      %dma_wait3A_69 = arith.constant 0 : i32
      %dma_wait3A_70 = tpu.memref_slice %arg2[%dma_wait3A_68, %dma_wait3A_69] : memref<1024x128xf32, #tpu.memory_space<hbm>> -> memref<1024x128xf32, #tpu.memory_space<hbm>>
      tpu.wait_indirect_dma semaphore(%arg9 : memref<!tpu.dma_semaphore, #tpu.memory_space<semaphore_mem>>) src(%dma_wait3A_70 : memref<1024x128xf32, #tpu.memory_space<hbm>>) dst(%arg7 : memref<128x128xf32, #tpu.memory_space<vmem>>)
      %dma_start3A_71 = arith.constant 0 : i32
      %dma_start3A_72 = tpu.memref_slice %arg4[%mul3A_53, %dma_start3A_71] : memref<524288x128xf32, #tpu.memory_space<hbm>> -> memref<128x128xf32, #tpu.memory_space<hbm>>
      %dma_start3A_73 = arith.constant 0 : i32
      %dma_start3A_74 = tpu.memref_slice %arg4[%mul3A_53, %dma_start3A_73] : memref<524288x128xf32, #tpu.memory_space<hbm>> -> memref<128x128xf32, #tpu.memory_space<hbm>>
      tpu.enqueue_dma source(%arg7 : memref<128x128xf32, #tpu.memory_space<vmem>>) target(%dma_start3A_74 : memref<128x128xf32, #tpu.memory_space<hbm>>) target_semaphore(%arg11 : memref<!tpu.dma_semaphore, #tpu.memory_space<semaphore_mem>>)
    }
    %scan3A_6 = arith.constant 64 : i32
    %dma_wait3A = arith.constant 0 : i32
    %dma_wait3A_7 = arith.constant 0 : i32
    %dma_wait3A_8 = tpu.memref_slice %arg4[%dma_wait3A, %dma_wait3A_7] : memref<524288x128xf32, #tpu.memory_space<hbm>> -> memref<128x128xf32, #tpu.memory_space<hbm>>
    %dma_wait3A_9 = arith.constant 0 : i32
    %dma_wait3A_10 = arith.constant 0 : i32
    %dma_wait3A_11 = tpu.memref_slice %arg4[%dma_wait3A_9, %dma_wait3A_10] : memref<524288x128xf32, #tpu.memory_space<hbm>> -> memref<128x128xf32, #tpu.memory_space<hbm>>
    tpu.wait_dma2 semaphore(%arg10 : memref<!tpu.dma_semaphore, #tpu.memory_space<semaphore_mem>>) src(%arg6 : memref<128x128xf32, #tpu.memory_space<vmem>>) dst(%dma_wait3A_11 : memref<128x128xf32, #tpu.memory_space<hbm>>)
    %dma_wait3A_12 = arith.constant 0 : i32
    %dma_wait3A_13 = arith.constant 0 : i32
    %dma_wait3A_14 = tpu.memref_slice %arg4[%dma_wait3A_12, %dma_wait3A_13] : memref<524288x128xf32, #tpu.memory_space<hbm>> -> memref<128x128xf32, #tpu.memory_space<hbm>>
    %dma_wait3A_15 = arith.constant 0 : i32
    %dma_wait3A_16 = arith.constant 0 : i32
    %dma_wait3A_17 = tpu.memref_slice %arg4[%dma_wait3A_15, %dma_wait3A_16] : memref<524288x128xf32, #tpu.memory_space<hbm>> -> memref<128x128xf32, #tpu.memory_space<hbm>>
    tpu.wait_dma2 semaphore(%arg11 : memref<!tpu.dma_semaphore, #tpu.memory_space<semaphore_mem>>) src(%arg7 : memref<128x128xf32, #tpu.memory_space<vmem>>) dst(%dma_wait3A_17 : memref<128x128xf32, #tpu.memory_space<hbm>>)
    return
  }
}

</mosaic_0001>

<sc_bundles>
// kernel: kernel.3.cloned.1.call-start
scs
__scs_entry_jumppad:
0x0: {  	(pc) =	sbr.rel $0x88, $3  }
0x1: {  	(tag) =	ssettag $0x0;
	lr =	simm.s32 $0x1  }
0x2: {  	[smem:$0x3F9F] =	sst lr;
	_ =	strace $0xD0000000  }
0x3: {  	_ = 	snop  }
0x4: {  	_ = 	snop  }
0x5: {  	_ = 	snop  }
0x6: {  	_ = 	snop  }
0x7: {  	_ = 	snop  }
__scs_overlays_trampoline_lowered:
0x8: {  	[smem:$0x3FAE] =	sst s0  }
0x9: {  	[smem:$0x3FAF] =	sst s1  }
0xa: {  	[smem:$0x3FB0] =	sst s2  }
0xb: {  	[smem:$0x3FB1] =	sst s3  }
0xc: {  	[smem:$0x3FB2] =	sst s4  }
0xd: {  	[smem:$0x3FB3] =	sst s5  }
0xe: {  	[smem:$0x3FB4] =	sst s6  }
0xf: {  	[smem:$0x3FB5] =	sst s7  }
0x10: {  	[smem:$0x3FB6] =	sst s8  }
0x11: {  	[smem:$0x3FB7] =	sst s9;
	s0 =	simm.s32 @!p0 $0x0  }
0x12: {  	s1 =	sld [smem:$0x3F9D];
	s0 =	simm.s32 @p0 $0x1  }
0x13: {  	[smem:$0x3FB8] =	sst s0;
	s0 =	simm.s32 @!p1 $0x0  }
0x14: {  	s2 =	sld [smem:$0x3F9C];
	s0 =	simm.s32 @p1 $0x1  }
0x15: {  	[smem:$0x3FB9] =	sst s0;
	s0 =	simm.s32 @!p2 $0x0  }
0x16: {  	s3 =	sld [smem:$0x3FDB];
	s0 =	simm.s32 @p2 $0x1  }
0x17: {  	s4 =	simm.s32 $0x1BF5;
	[smem:$0x3FBB] =	sst s0  }
0x18: {  	s0 =	sld [smem:$0x3F9E];
	_ =	swait.ge [sflag:s4], $0x0  }
0x19: {  	s7 =	sld [smem:$0x3F9F]  }
0x1a: {  	s8 =	sadd.s32 $0xFFFFE003, lr  }
0x1b: {  	s9 =	sadd.s32 $0xFFFFFEF7, lr;
	s5 =	simm.s32 $0xFFFFFFFF;
	p2 =	slt.u32 s8, $0xFFFFF086  }
0x1c: {  	p1 =	slt.u32 s9, $0xF7A;
	s5 =	simm.s32 @!p2 $0x0  }
0x1d: {  	s5 =	simm.s32 @p1 $0x1;
	p0 =	seq.s32 s7, s2  }
0x1e: {  	s7 =	smul.u32 @!p0 $0xF7A, s2;
	p2 =	seq.s32 @!p0 s5, $0x0  }
0x1f: {  	s9 =	smul.u32 $0xF7A, s1;
	s8 =	simm.s32 @!p0 $0x1BF5;
	p2 =	por !p2, p0  }
0x20: {  	[sflag:s8] =	ssyncset.s32 @!p0 $0xFFFFF086;
	s6 =	sadd.s32 @!p0 s3, s7;
	s7 =	simm.s32 @!p0 $0x108  }
0x21: {  	s3 =	sadd.s32 s3, s9;
	s6 =	sadd.s32 @!p0 $0x88, s6;
	s7 =	simm.s32 @p2 $0x1082  }
0x22: {  	[simem:s7], [sflag:s8] =	dma.local @!p0 [hbm:s6], $0xF7A  }
0x23: {  	s9 =	sor.u32 $0xD0000000, s2;
	s6 =	simm.s32 $0x108;
	_ =	swait.ge @!p0 [sflag:s8], $0x0  }
0x24: {  	s3 =	sadd.s32 $0x88, s3;
	s6 =	simm.s32 @!p1 $0x1082;
	[sflag:s4] =	ssyncset.s32 $0xFFFFF086  }
0x25: {  	[simem:s6], [sflag:s4] =	dma.local [hbm:s3], $0xF7A  }
0x26: {  	[smem:$0x3F9F] =	sst s1;
	(tag) =	ssettag s2;
	_ =	strace s9  }
0x27: {  	s1 =	sld [smem:$0x3FAF]  }
0x28: {  	s2 =	sld [smem:$0x3FB0]  }
0x29: {  	s4 =	sld [smem:$0x3FB2]  }
0x2a: {  	p0 =	seq.s32 s5, $0x0;
	s5 =	sld [smem:$0x3FB3]  }
0x2b: {  	s6 =	sld [smem:$0x3FB4]  }
0x2c: {  	s7 =	sld [smem:$0x3FB5]  }
0x2d: {  	s3 =	simm.s32 $0x108;
	s8 =	sld [smem:$0x3FB6]  }
0x2e: {  	s3 =	simm.s32 @!p0 $0x1082;
	s9 =	sld [smem:$0x3FB7]  }
0x2f: {  	lr =	sadd.s32 s0, s3;
	s0 =	sld [smem:$0x3FAE]  }
0x30: {  	s3 =	sld [smem:$0x3FB1]  }
0x31: {  	[smem:$0x3FBA] =	sst s10  }
0x32: {  	s10 =	sld [smem:$0x3FB8];
	_ =	sdelay $0x3  }
0x33: {  	p0 =	seq.s32 s10, $0x1;
	s10 =	sld [smem:$0x3FBA];
	_ =	sdelay $0x3  }
0x34: {  	[smem:$0x3FBA] =	sst s10  }
0x35: {  	s10 =	sld [smem:$0x3FB9];
	_ =	sdelay $0x3  }
0x36: {  	p1 =	seq.s32 s10, $0x1;
	s10 =	sld [smem:$0x3FBA];
	_ =	sdelay $0x3  }
0x37: {  	[smem:$0x3FBA] =	sst s10  }
0x38: {  	s10 =	sld [smem:$0x3FBB]  }
0x39: {  	_ = 	snop;
	(pc) =	sbr.ind lr, $3  }
0x3a: {  	_ = 	snop  }
0x3b: {  	_ = 	snop  }
0x3c: {  	p2 =	seq.s32 s10, $0x1;
	s10 =	sld [smem:$0x3FBA]  }
0x3d: {  	_ =	shalt  }
0x3e: {  	_ =	shalt  }
0x3f: {  	_ =	shalt  }
0x40: {  	_ =	shalt  }
0x41: {  	_ =	shalt  }
0x42: {  	_ =	shalt  }
0x43: {  	_ =	shalt  }
0x44: {  	_ =	shalt  }
0x45: {  	_ =	shalt  }
0x46: {  	_ =	shalt  }
0x47: {  	_ =	shalt  }
0x48: {  	_ =	shalt  }
0x49: {  	_ =	shalt  }
0x4a: {  	_ =	shalt  }
0x4b: {  	_ =	shalt  }
0x4c: {  	_ =	shalt  }
0x4d: {  	_ =	shalt  }
0x4e: {  	_ =	shalt  }
0x4f: {  	_ =	shalt  }
0x50: {  	_ =	shalt  }
0x51: {  	_ =	shalt  }
0x52: {  	_ =	shalt  }
0x53: {  	_ =	shalt  }
0x54: {  	_ =	shalt  }
0x55: {  	_ =	shalt  }
0x56: {  	_ =	shalt  }
0x57: {  	_ =	shalt  }
0x58: {  	_ =	shalt  }
0x59: {  	_ =	shalt  }
0x5a: {  	_ =	shalt  }
0x5b: {  	_ =	shalt  }
0x5c: {  	_ =	shalt  }
0x5d: {  	_ =	shalt  }
0x5e: {  	_ =	shalt  }
0x5f: {  	_ =	shalt  }
0x60: {  	_ =	shalt  }
0x61: {  	_ =	shalt  }
0x62: {  	_ =	shalt  }
0x63: {  	_ =	shalt  }
0x64: {  	_ =	shalt  }
0x65: {  	_ =	shalt  }
0x66: {  	_ =	shalt  }
0x67: {  	_ =	shalt  }
0x68: {  	_ =	shalt  }
0x69: {  	_ =	shalt  }
0x6a: {  	_ =	shalt  }
0x6b: {  	_ =	shalt  }
0x6c: {  	_ =	shalt  }
0x6d: {  	_ =	shalt  }
0x6e: {  	_ =	shalt  }
0x6f: {  	_ =	shalt  }
0x70: {  	_ =	shalt  }
0x71: {  	_ =	shalt  }
0x72: {  	_ =	shalt  }
0x73: {  	_ =	shalt  }
0x74: {  	_ =	shalt  }
0x75: {  	_ =	shalt  }
0x76: {  	_ =	shalt  }
0x77: {  	_ =	shalt  }
0x78: {  	_ =	shalt  }
0x79: {  	_ =	shalt  }
0x7a: {  	_ =	shalt  }
0x7b: {  	_ =	shalt  }
0x7c: {  	_ =	shalt  }
0x7d: {  	_ =	shalt  }
0x7e: {  	_ =	shalt  }
0x7f: {  	_ =	shalt  }
0x80: {  	_ =	shalt  }
0x81: {  	_ =	shalt  }
0x82: {  	_ =	shalt  }
0x83: {  	_ =	shalt  }
0x84: {  	_ =	shalt  }
0x85: {  	_ =	shalt  }
0x86: {  	_ =	shalt  }
0x87: {  	_ =	shalt  }
.Lfunc_end0:
.L_simem_size_0:
called_computation_lowered:
.L_overlay_start_0:
0x88: {  	s2 =	sld [smem:$0x3FD9]  }
0x89: {  	s3 =	sld [smem:$0x3FFE];
	_ =	sdelay $0x1  }
0x8a: {  	s1 =	srdreg.scid  }
0x8b: {  	s0 =	sand.u32 $0x1, s1  }
0x8c: {  	s17 =	sshll.u32 s0, $0xA;
	s2 =	sadd.s32 s3, s2  }
0x8d: {  	s2 =	sadd.s32 s2, s17  }
0x8e: {  	[smem:$0x3FC6] =	sst s2  }
0x8f: {  	_ = 	snop  }
0x90: {  	s2 =	sld [smem:$0x3FD0];
	(tm) =	ssettm $0x1  }
0x91: {  	s18 =	sld [smem:$0x3FFB];
	_ =	sdelay $0x3  }
0x92: {  	_ =	strace s18  }
0x93: {  	s3 =	sld [smem:$0x3FFC];
	_ =	sdelay $0x3  }
0x94: {  	_ =	strace s3  }
0x95: {  	s3 =	sld [smem:$0x3FFD];
	_ =	sdelay $0x3  }
0x96: {  	_ =	strace s3  }
0x97: {  	_ =	strace $0x8FFFFFFF  }
0x98: {  	s19 =	sld [smem:$0x3FDB];
	_ =	sdelay $0x1  }
0x99: {  	s4 =	simm.s32 $_scs_section_size  }
0x9a: {  	s5 =	simm.s32 $_size__tile_overlayer_lowered;
	s6 =	simm.s32 $_tile_overlayer_lowered  }
0x9b: {  	s22 =	simm.s32 $0x1BFF;
	s21 =	sshll.u32 s6, $0x1;
	s3 =	sadd.s32 s4, s19  }
0x9c: {  	s7 =	simm.s32 $0x0;
	s20 =	sshll.u32 s5, $0x1;
	s5 =	sadd.s32 s21, s3  }
0x9d: {  	[timem:s7], [sflag:s22] =	dma.local [hbm:s5], s20  }
0x9e: {  	_ =	swait.ge [sflag:s22], s20  }
0x9f: {  	s4 =	ssub.s32 $0x0, s20;
	[sflag:s22] =	ssyncset.done $0x0  }
0xa0: {  	[sflag:s22] =	ssyncadd.s32 s4;
	_ =	sdelay $0x1  }
0xa1: {  	s23 =	simm.s32 $0x1B8B  }
0xa2: {  	_ =	swait.ge [sflag:s23], $0x1  }
0xa3: {  	[sflag:s23] =	ssyncset.done $0x0  }
0xa4: {  	s25 =	simm.s32 $0x1B8E;
	s24 =	sld [smem:$0x3FFE];
	[sflag:s23] =	ssyncadd.s32 $0xFFFFFFFF  }
0xa5: {  	s26 =	simm.s32 $execute0_lowered;
	[smem:$0x3FD2] =	sst s25  }
0xa6: {  	s5 =	sshll.u32 s26, $0x1;
	_ =	strace $0x80000046;
	[dreg:$0x1] =	wrdreg $0xFFFFFFFF  }
0xa7: {  	s28 =	simm.s32 $_size_execute0_lowered;
	s3 =	sadd.s32 s3, s5;
	[dreg:$0x0] =	wrdreg $0x0  }
0xa8: {  	s5 =	sshll.u32 s28, $0x1;
	[dreg:$0x2] =	wrdreg s3  }
0xa9: {  	[dreg:$0x3] =	wrdreg s5  }
0xaa: {  	[dreg:$0x4] =	wrdreg $0xC0  }
0xab: {  	_ =	task [dreg:s7], $0x5FFFF  }
0xac: {  	[dreg:$0x1] =	wrdreg $0xFFFFFFFF  }
0xad: {  	[dreg:$0x0] =	wrdreg $0x60  }
0xae: {  	[dreg:$0x2] =	wrdreg s24  }
0xaf: {  	[dreg:$0x3] =	wrdreg s2  }
0xb0: {  	[dreg:$0x4] =	wrdreg $0x9  }
0xb1: {  	_ =	task.clear_ibuf [dreg:s7], $0x5FFFF;
	_ =	strace $0x90000046  }
0xb2: {  	s29 =	simm.s32 $0x9;
	_ =	strace $0x80000048  }
0xb3: {  	_ =	swait.ge [sflag:s29], $0x1  }
0xb4: {  	[sflag:s29] =	ssyncadd.s32 $0xFFFFFFFF  }
0xb5: {  	_ =	strace $0x90000048  }
0xb6: {  	_ =	sfence  }
0xb7: {  	s30 =	sld [smem:$0x0];
	_ =	sdelay $0x2  }
0xb8: {  	s31 =	sshll.u32 s1, $0xD;
	s1 =	sshrl.u32 s1, $0x2  }
0xb9: {  	s3 =	sand.u32 $0x4000, s31;
	s1 =	sadd.s32 s1, s30  }
0xba: {  	s0 =	sor.u32 s3, s0;
	s1 =	sshll.u32 s1, $0x11  }
0xbb: {  	s0 =	sor.u32 s1, s0  }
0xbc: {  	s0 =	sadd.s32 $0x8F2B, s0  }
0xbd: {  	[sflag:s0] =	ssyncadd.remote.s32 $0x1  }
0xbe: {  	_ =	sfence.sel $0xFFFF  }
0xbf: {  	[dreg:$0x0] =	wrdreg $0xFFFFFFFF;
	(pc) =	sbr.abs _section_cstart, $3  }
0xc0: {  	[dreg:$0x1] =	wrdreg $0xFFFFFFFF  }
0xc1: {  	_ =	task.clear_ibuf [dreg:s7], $0x2FFFF;
	_ =	strace $0x9FFFFFFF  }
0xc2: {  	(tm) =	ssettm $0x7FFFFFFF  }
0xc3: {  	_ =	shalt  }
tec
execute0_lowered:
.L_overlay_start_1:
0x0: {  	(tag) =	ssettag $0x1  }
0x1: {  	s4 =	rddreg [dreg:$0x0]  }
0x2: {  	s5 =	rddreg [dreg:$0x1]  }
0x3: {  	s0 =	rddreg [dreg:$0x2];
	s3 =	srdreg.scid  }
0x4: {  	s2 =	simm.s32 $0x0;
	s1 =	stileid.u32;
	s11 =	simm.s32 $0x4000  }
0x5: {  	s12 =	simm.s32 $0x1;
	s13 =	simm.s32 $0x8000;
	s14 =	simm.s32 $0x2  }
0x6: {  	s15 =	simm.s32 $0x3;
	s16 =	simm.s32 $0x4;
	s17 =	simm.s32 $0x0  }
0x7: {  	s6 =	sand.u32 $0x1, s3;
	[smem:$0x7FF] =	sst s2;
	s30 =	sshll.u32 s1, $0x8  }
0x8: {  	s3 =	sadd.s32 $0x400, s4;
	s31 =	sshll.u32 s1, $0x13;
	s7 =	sshll.u32 s6, $0x7  }
0x9: {  	_ =	strace $0x80000047;
	s8 =	ssub.s32 $0x2, s6;
	s7 =	sor.u32 s7, s30  }
0xa: {  	s6 =	sshll.u32 s6, $0x12;
	s10 =	sshrl.u32 s8, $0x1;
	s9 =	sshll.u32 s7, $0x4  }
0xb: {  	s8 =	ssub.s32 s8, s10;
	s7 =	sshll.u32 s7, $0xB;
	s10 =	simm.s32 $0x80  }
0xc: {  	s4 =	sadd.s32 s9, s4;
	s9 =	sadd.s32 s31, s5;
	s5 =	sadd.s32 s5, s7  }
0xd: {  	s4 =	sadd.s32 $0x4400, s4;
	s9 =	sadd.s32 s6, s9;
	s6 =	smax.u32 s8, $0x1  }
0xe: {  	s7 =	sadd.s32 $0x800, s5;
	s8 =	sadd.s32 $0x1000, s9;
	s9 =	simm.s32 $0x5  }
.LBB2_1:
0xf: {  	[tilespmem:s2], [sflag:$0x5] =	stream.linear.gather [hbm4b:s4+s2], $0x4000, $0x38;
	[tilespmem:$0xC000] =	vst v63  }
0x10: {  	_ =	swait.ge [sflag:s9], $0x4000  }
0x11: {  	[sflag:s9] =	ssyncset.done $0x0  }
0x12: {  	[sflag:s9] =	ssyncadd.s32 $0xFFFFC000  }
0x13: {  	[tilespmem:s11], [sflag:$0x1] =	stream.indirect.gather [hbm4b:s3+s10], $0x80, s2, s10, $0xb8;
	[tilespmem:$0xC000] =	vst v63  }
0x14: {  	_ =	swait.ge [sflag:s12], $0x4000  }
0x15: {  	[sflag:s12] =	ssyncset.done $0x0  }
0x16: {  	[sflag:s12] =	ssyncadd.s32 $0xFFFFC000  }
0x17: {  	[hbm4b:s5+s2] =	stream.linear.scatter [tilespmem:s11], [sflag:$0x3], $0x4000, $0x38;
	[tilespmem:$0xC000] =	vst v63  }
0x18: {  	_ = 	snop  }
0x19: {  	[tilespmem:s13], [sflag:$0x2] =	stream.indirect.gather [hbm4b:s3+s10], $0x80, s10, s10, $0xb8;
	[tilespmem:$0xC000] =	vst v63  }
0x1a: {  	_ =	swait.ge [sflag:s14], $0x4000  }
0x1b: {  	[sflag:s14] =	ssyncset.done $0x0  }
0x1c: {  	[sflag:s14] =	ssyncadd.s32 $0xFFFFC000  }
0x1d: {  	[hbm4b:s7+s2] =	stream.linear.scatter [tilespmem:s13], [sflag:$0x4], $0x4000, $0x38;
	[tilespmem:$0xC000] =	vst v63  }
0x1e: {  	_ =	swait.ge [sflag:s15], $0x4000  }
0x1f: {  	[sflag:s15] =	ssyncset.done $0x0  }
0x20: {  	s18 =	simm.s32 $0x100;
	[sflag:s15] =	ssyncadd.s32 $0xFFFFC000  }
0x21: {  	[tilespmem:s11], [sflag:$0x1] =	stream.indirect.gather [hbm4b:s3+s10], $0x80, s18, s10, $0xb8;
	[tilespmem:$0xC000] =	vst v63  }
0x22: {  	_ =	swait.ge [sflag:s12], $0x4000  }
0x23: {  	[sflag:s12] =	ssyncset.done $0x0  }
0x24: {  	[sflag:s12] =	ssyncadd.s32 $0xFFFFC000  }
0x25: {  	[hbm4b:s8+s2] =	stream.linear.scatter [tilespmem:s11], [sflag:$0x3], $0x4000, $0x38;
	[tilespmem:$0xC000] =	vst v63  }
0x26: {  	_ =	swait.ge [sflag:s16], $0x4000  }
0x27: {  	[sflag:s16] =	ssyncset.done $0x0  }
0x28: {  	s31 =	simm.s32 $0x180;
	[sflag:s16] =	ssyncadd.s32 $0xFFFFC000  }
0x29: {  	[tilespmem:s13], [sflag:$0x2] =	stream.indirect.gather [hbm4b:s3+s10], $0x80, s31, s10, $0xb8;
	[tilespmem:$0xC000] =	vst v63  }
0x2a: {  	_ =	swait.ge [sflag:s14], $0x4000  }
0x2b: {  	s20 =	sadd.s32 $0x800, s8;
	[sflag:s14] =	ssyncset.done $0x0  }
0x2c: {  	s19 =	sadd.s32 $0x1000, s8;
	s18 =	simm.s32 $0x400;
	[sflag:s14] =	ssyncadd.s32 $0xFFFFC000  }
.LBB2_2:
0x2d: {  	[hbm4b:s20+s2] =	stream.linear.scatter [tilespmem:s13], [sflag:$0x4], $0x4000, $0x38;
	[tilespmem:$0xC000] =	vst v63  }
0x2e: {  	s20 =	smov.u32 s18  }
0x2f: {  	p0 =	sne.s32 s18, $0xF800;
	s18 =	sadd.s32 $0x400, s18;
	_ =	swait.ge [sflag:s15], $0x4000  }
0x30: {  	s20 =	sshra.s32 s20, $0x2;
	[sflag:s15] =	ssyncset.done $0x0  }
0x31: {  	s21 =	sadd.s32 $0x100, s20;
	[sflag:s15] =	ssyncadd.s32 $0xFFFFC000  }
0x32: {  	[tilespmem:s11], [sflag:$0x1] =	stream.indirect.gather [hbm4b:s3+s10], $0x80, s21, s10, $0xb8;
	[tilespmem:$0xC000] =	vst v63  }
0x33: {  	_ =	swait.ge [sflag:s12], $0x4000  }
0x34: {  	[sflag:s12] =	ssyncset.done $0x0  }
0x35: {  	[sflag:s12] =	ssyncadd.s32 $0xFFFFC000  }
0x36: {  	[hbm4b:s19+s2] =	stream.linear.scatter [tilespmem:s11], [sflag:$0x3], $0x4000, $0x38;
	[tilespmem:$0xC000] =	vst v63  }
0x37: {  	_ =	swait.ge [sflag:s16], $0x4000  }
0x38: {  	[sflag:s16] =	ssyncset.done $0x0  }
.Ltmp0:
0x39: {  	s20 =	sadd.s32 $0x180, s20;
	[sflag:s16] =	ssyncadd.s32 $0xFFFFC000;
	(pc) =	sbr.rel @p0 .LBB2_2-.Ltmp0, $4  }
0x3a: {  	[tilespmem:s13], [sflag:$0x2] =	stream.indirect.gather [hbm4b:s3+s10], $0x80, s20, s10, $0xb8;
	[tilespmem:$0xC000] =	vst v63  }
0x3b: {  	_ =	swait.ge [sflag:s14], $0x4000  }
0x3c: {  	[sflag:s14] =	ssyncset.done $0x0  }
0x3d: {  	s20 =	sadd.s32 $0x800, s19;
	s19 =	sadd.s32 $0x1000, s19;
	[sflag:s14] =	ssyncadd.s32 $0xFFFFC000  }
0x3e: {  	[hbm4b:s20+s2] =	stream.linear.scatter [tilespmem:s13], [sflag:$0x4], $0x4000, $0x38;
	[tilespmem:$0xC000] =	vst v63  }
0x3f: {  	s17 =	sadd.s32 $0x1, s17  }
0x40: {  	_ =	swait.ge [sflag:s15], $0x4000;
	p0 =	sne.s32 s17, s6  }
.Ltmp1:
0x41: {  	[sflag:s15] =	ssyncset.done $0x0;
	(pc) =	sbr.rel @p0 .LBB2_1-.Ltmp1, $4  }
0x42: {  	[sflag:s15] =	ssyncadd.s32 $0xFFFFC000  }
0x43: {  	_ =	swait.ge [sflag:s16], $0x4000  }
0x44: {  	[sflag:s16] =	ssyncset.done $0x0  }
0x45: {  	[sflag:s16] =	ssyncadd.s32 $0xFFFFC000  }
0x46: {  	_ =	sfence.sel $0x180000  }
0x47: {  	[bflag:$0x0] =	sbarrier.arrive $0xFFFF  }
0x48: {  	p0 =	sne.s32 s1, $0x0;
	_ =	strace $0x90000047  }
0x49: {  	s0 =	sadd.s32 @!p0 $0x100000, s0;
	[bflag:$0x2] =	sbarrier.arrive $0xFFFF  }
0x4a: {  	[sflag:s0] =	ssyncadd.tile.s32 @!p0 $0x1;
	_ =	shalt  }
.Lfunc_end2:
_tile_overlayer_lowered:
.L_overlay_start_2:
0x4b: {  	(tag) =	ssettag $0x2  }
0x4c: {  	s0 =	rddreg [dreg:$0x0];
	s2 =	stileid.u32  }
0x4d: {  	s1 =	rddreg [dreg:$0x1];
	p0 =	sne.s32 s2, $0x0  }
0x4e: {  	s3 =	rddreg [dreg:$0x2];
	[bflag:$0x3] =	sbarrier.arrive $0xFFFF;
	s2 =	simm.s32 @!p0 $0x1C05  }
0x4f: {  	[timem:s3], [sflag:s2] =	dma.local @!p0 [hbm:s0], s1  }
0x50: {  	s0 =	simm.s32 @!p0 $0x5  }
0x51: {  	_ =	swait.ge @!p0 [sflag:s0], s1  }
0x52: {  	s1 =	ssub.s32 @!p0 $0x0, s1;
	[sflag:s0] =	ssyncset.done @!p0 $0x0  }
0x53: {  	[sflag:s0] =	ssyncadd.s32 @!p0 s1  }
0x54: {  	[bflag:$0x3] =	sbarrier.arrive $0xFFFF  }
0x55: {  	_ =	shalt  }

</sc_bundles>
